<compile_context>
chip_gen: v7x
topology: tpu7x:2x2x1
jax: 0.10.2.dev20260603
libtpu: 0.0.44.dev20260713+nightly
codegen_flags: <defaults>
</compile_context>

<pallas_src>
import functools

import jax
import jax.numpy as jnp
from jax import lax
from jax.experimental import pallas as pl
from jax.experimental.pallas import tpu as pltpu
from jax.experimental.pallas import tpu_sc as plsc

MAXLEN = 200
EMBED_DIM = 128
BATCH = 1024

NC = 2
NS = 16
LANES = 16
NW = NC * NS
SEQ_PER_W = BATCH // NW
IDX_CHUNK = 100
N_CHUNK = MAXLEN // IDX_CHUNK
NBUF = 4
MAIN_TRIPS = SEQ_PER_W // NBUF


def _body(x_hbm, tok_hbm, pos_hbm, out_hbm, idx_v, pos_v, *bufsem):
    bufs = bufsem[:NBUF]
    gsems = bufsem[NBUF:2 * NBUF]
    wsems = bufsem[2 * NBUF:3 * NBUF]
    psems = bufsem[3 * NBUF:4 * NBUF]
    wid = lax.axis_index("s") * NC + lax.axis_index("c")

    pltpu.sync_copy(x_hbm.at[wid], idx_v)

    @pl.when(lax.axis_index("s") == 0)
    def _():
        pltpu.sync_copy(pos_hbm, pos_v)

    plsc.subcore_barrier()

    def issue_prefill(k):
        pltpu.async_copy(pos_v, bufs[k], psems[k])

    def wait_prefill(k):
        pltpu.make_async_copy(pos_v, bufs[k], psems[k]).wait()

    def issue_gather(s, k):
        for j in range(N_CHUNK):
            pltpu.async_copy(
                tok_hbm.at[idx_v.at[s * N_CHUNK + j]],
                bufs[k].at[pl.ds(j * IDX_CHUNK, IDX_CHUNK)],
                gsems[k],
                add=True,
            )

    def wait_gather(k):
        pltpu.make_async_copy(tok_hbm.at[pl.ds(0, MAXLEN)], bufs[k], gsems[k]).wait()

    def issue_wb(s, k):
        row = wid * (SEQ_PER_W * MAXLEN) + s * MAXLEN
        pltpu.async_copy(bufs[k], out_hbm.at[pl.ds(row, MAXLEN)], wsems[k])

    def wait_wb(k):
        pltpu.make_async_copy(bufs[k], out_hbm.at[pl.ds(0, MAXLEN)], wsems[k]).wait()

    issue_prefill(0)
    wait_prefill(0)
    issue_gather(0, 0)
    issue_prefill(1)

    def step(u, carry):
        for k in range(NBUF):
            s = u * NBUF + k
            kn = (k + 1) % NBUF
            kp = (k + 2) % NBUF
            wait_gather(k)
            issue_wb(s, k)

            if k == NBUF - 1:
                @pl.when(u < MAIN_TRIPS - 1)
                def _(s=s, kn=kn):
                    wait_prefill(kn)
                    issue_gather(s + 1, kn)
            else:
                wait_prefill(kn)
                issue_gather(s + 1, kn)

            if k < 2:
                @pl.when(u > 0)
                def _(kp=kp):
                    wait_wb(kp)
            else:
                wait_wb(kp)
            if k >= 2:
                @pl.when(u < MAIN_TRIPS - 1)
                def _(kp=kp):
                    issue_prefill(kp)
            else:
                issue_prefill(kp)
        return carry

    lax.fori_loop(0, MAIN_TRIPS, step, 0, unroll=False)

    wait_wb(2)
    wait_wb(3)


@jax.jit
def _embed(x2, token_table, pos_table):
    mesh = plsc.VectorSubcoreMesh(
        core_axis_name="c", subcore_axis_name="s", num_cores=NC, num_subcores=NS
    )
    run = functools.partial(
        pl.kernel,
        mesh=mesh,
        out_type=jax.ShapeDtypeStruct((BATCH * MAXLEN, EMBED_DIM), jnp.float32),
        scratch_types=[
            pltpu.VMEM((SEQ_PER_W * N_CHUNK, IDX_CHUNK), jnp.int32),
            pltpu.VMEM_SHARED((MAXLEN, EMBED_DIM), jnp.float32),
        ]
        + [pltpu.VMEM((MAXLEN, EMBED_DIM), jnp.float32) for _ in range(NBUF)]
        + [pltpu.SemaphoreType.DMA for _ in range(3 * NBUF)],
    )(_body)
    return run(x2, token_table, pos_table)


def kernel(x, token_table, pos_table):
    x2 = x.astype(jnp.int32).reshape(NW, SEQ_PER_W * N_CHUNK, IDX_CHUNK)
    out = _embed(x2, token_table, pos_table)
    return out.reshape(BATCH, MAXLEN, EMBED_DIM)

# --- scband reference (transcript-rebuilt; emitter-appended) ---
"""Pipeline reference for scband-token-and-position-embedding-80659485819438 (READ-ONLY COPY).

The authoritative reference and input builder live on the scoring server;
editing this copy changes nothing except your own understanding.
"""

import jax, jax.numpy as jnp
import numpy as np

MAXLEN = 200
VOCAB_SIZE = 100000
EMBED_DIM = 128
BATCH = 1024

def setup_inputs(seed: int = 0) -> dict:
    key = jax.random.key(seed)
    k1, k2, k3 = jax.random.split(key, 3)
    x = jax.random.randint(k1, (BATCH, MAXLEN), 0, VOCAB_SIZE, dtype=jnp.int64 if jax.config.jax_enable_x64 else jnp.int32)
    token_table = jax.random.normal(k2, (VOCAB_SIZE, EMBED_DIM), dtype=jnp.float32) * 0.05
    pos_table = jax.random.normal(k3, (MAXLEN, EMBED_DIM), dtype=jnp.float32) * 0.05
    return {"x": x, "token_table": token_table, "pos_table": pos_table}

def reference(x, token_table, pos_table):
    # Faithful translation of TokenAndPositionEmbedding.call
    maxlen = x.shape[-1]
    positions = jnp.arange(0, maxlen)
    pos = jnp.take(pos_table, positions, axis=0)          # [maxlen, embed_dim]
    tok = jnp.take(token_table, x, axis=0)                # [B, maxlen, embed_dim]
    return tok + pos[None, :, :]

if __name__ == "__main__":
    import jax
    _d = setup_inputs()
    print(jax.jit(kernel)(*tuple(_d.values())))

</pallas_src>

<mosaic_0001>
#map = affine_map<(d0, d1) -> (0, 0, 0)>
#map1 = affine_map<(d0, d1) -> (0, 0)>
module attributes {stable_mosaic.version = 14 : i64} {
  func.func @_body(%arg0: i32, %arg1: i32, %arg2: memref<32x64x100xi32, #tpu.memory_space<hbm>>, %arg3: memref<100000x128xf32, #tpu.memory_space<hbm>>, %arg4: memref<200x128xf32, #tpu.memory_space<hbm>>, %arg5: memref<204800x128xf32, #tpu.memory_space<hbm>>, %arg6: memref<64x100xi32, #tpu.memory_space<vmem>>, %arg7: memref<200x128xf32, #tpu.memory_space<vmem_shared>>, %arg8: memref<200x128xf32, #tpu.memory_space<vmem>>, %arg9: memref<200x128xf32, #tpu.memory_space<vmem>>, %arg10: memref<200x128xf32, #tpu.memory_space<vmem>>, %arg11: memref<200x128xf32, #tpu.memory_space<vmem>>, %arg12: memref<!tpu.dma_semaphore, #tpu.memory_space<semaphore_mem>>, %arg13: memref<!tpu.dma_semaphore, #tpu.memory_space<semaphore_mem>>, %arg14: memref<!tpu.dma_semaphore, #tpu.memory_space<semaphore_mem>>, %arg15: memref<!tpu.dma_semaphore, #tpu.memory_space<semaphore_mem>>, %arg16: memref<!tpu.dma_semaphore, #tpu.memory_space<semaphore_mem>>, %arg17: memref<!tpu.dma_semaphore, #tpu.memory_space<semaphore_mem>>, %arg18: memref<!tpu.dma_semaphore, #tpu.memory_space<semaphore_mem>>, %arg19: memref<!tpu.dma_semaphore, #tpu.memory_space<semaphore_mem>>, %arg20: memref<!tpu.dma_semaphore, #tpu.memory_space<semaphore_mem>>, %arg21: memref<!tpu.dma_semaphore, #tpu.memory_space<semaphore_mem>>, %arg22: memref<!tpu.dma_semaphore, #tpu.memory_space<semaphore_mem>>, %arg23: memref<!tpu.dma_semaphore, #tpu.memory_space<semaphore_mem>>) attributes {dimension_semantics = [#tpu.dimension_semantics<core_parallel>, #tpu.dimension_semantics<subcore_parallel>], iteration_bounds = array<i64: 2, 16>, scalar_prefetch = 0 : i64, scratch_operands = 18 : i64, tpu.core_type = #tpu.core_type<sc_vector_subcore>, window_params = [{transform_indices = #map}, {transform_indices = #map1}, {transform_indices = #map1}, {transform_indices = #map1}]} {
    %mul3A = arith.constant 2 : i32
    %mul3A_0 = arith.muli %arg1, %mul3A : i32
    %add3A = arith.addi %mul3A_0, %arg0 : i32
    "tpu.region"() ({
      %run_scoped3A = tpu.sem_alloc : memref<!tpu.dma_semaphore, #tpu.memory_space<semaphore_mem>>
      %dma_start3A_38 = arith.constant 0 : i32
      %dma_start3A_39 = arith.constant 0 : i32
      %dma_start3A_40 = tpu.memref_slice %arg2[%add3A, %dma_start3A_38, %dma_start3A_39] : memref<32x64x100xi32, #tpu.memory_space<hbm>> -> memref<1x64x100xi32, #tpu.memory_space<hbm>>
      %dma_start3A_41 = tpu.memref_squeeze %dma_start3A_40 : memref<1x64x100xi32, #tpu.memory_space<hbm>> -> memref<64x100xi32, #tpu.memory_space<hbm>>
      %dma_start3A_42 = arith.constant 0 : i32
      %dma_start3A_43 = arith.constant 0 : i32
      %dma_start3A_44 = tpu.memref_slice %arg2[%add3A, %dma_start3A_42, %dma_start3A_43] : memref<32x64x100xi32, #tpu.memory_space<hbm>> -> memref<1x64x100xi32, #tpu.memory_space<hbm>>
      %dma_start3A_45 = tpu.memref_squeeze %dma_start3A_44 : memref<1x64x100xi32, #tpu.memory_space<hbm>> -> memref<64x100xi32, #tpu.memory_space<hbm>>
      tpu.enqueue_dma source(%dma_start3A_45 : memref<64x100xi32, #tpu.memory_space<hbm>>) target(%arg6 : memref<64x100xi32, #tpu.memory_space<vmem>>) target_semaphore(%run_scoped3A : memref<!tpu.dma_semaphore, #tpu.memory_space<semaphore_mem>>)
      %dma_wait3A_46 = arith.constant 0 : i32
      %dma_wait3A_47 = arith.constant 0 : i32
      %dma_wait3A_48 = tpu.memref_slice %arg2[%add3A, %dma_wait3A_46, %dma_wait3A_47] : memref<32x64x100xi32, #tpu.memory_space<hbm>> -> memref<1x64x100xi32, #tpu.memory_space<hbm>>
      %dma_wait3A_49 = tpu.memref_squeeze %dma_wait3A_48 : memref<1x64x100xi32, #tpu.memory_space<hbm>> -> memref<64x100xi32, #tpu.memory_space<hbm>>
      %dma_wait3A_50 = arith.constant 0 : i32
      %dma_wait3A_51 = arith.constant 0 : i32
      %dma_wait3A_52 = tpu.memref_slice %arg2[%add3A, %dma_wait3A_50, %dma_wait3A_51] : memref<32x64x100xi32, #tpu.memory_space<hbm>> -> memref<1x64x100xi32, #tpu.memory_space<hbm>>
      %dma_wait3A_53 = tpu.memref_squeeze %dma_wait3A_52 : memref<1x64x100xi32, #tpu.memory_space<hbm>> -> memref<64x100xi32, #tpu.memory_space<hbm>>
      tpu.wait_dma2 semaphore(%run_scoped3A : memref<!tpu.dma_semaphore, #tpu.memory_space<semaphore_mem>>) src(%dma_wait3A_53 : memref<64x100xi32, #tpu.memory_space<hbm>>) dst(%arg6 : memref<64x100xi32, #tpu.memory_space<vmem>>)
      tpu.yield
    }) : () -> ()
    %eq3A = arith.constant 0 : i32
    %eq3A_1 = arith.cmpi eq, %arg1, %eq3A : i32
    %convert_element_type3A = arith.extui %eq3A_1 : i1 to i32
    %cond3A = arith.constant 0 : i32
    %cond3A_2 = arith.cmpi ne, %convert_element_type3A, %cond3A : i32
    scf.if %cond3A_2 {
      "tpu.region"() ({
        %run_scoped3A = tpu.sem_alloc : memref<!tpu.dma_semaphore, #tpu.memory_space<semaphore_mem>>
        tpu.enqueue_dma source(%arg4 : memref<200x128xf32, #tpu.memory_space<hbm>>) target(%arg7 : memref<200x128xf32, #tpu.memory_space<vmem_shared>>) target_semaphore(%run_scoped3A : memref<!tpu.dma_semaphore, #tpu.memory_space<semaphore_mem>>)
        tpu.wait_dma2 semaphore(%run_scoped3A : memref<!tpu.dma_semaphore, #tpu.memory_space<semaphore_mem>>) src(%arg4 : memref<200x128xf32, #tpu.memory_space<hbm>>) dst(%arg7 : memref<200x128xf32, #tpu.memory_space<vmem_shared>>)
        tpu.yield
      }) : () -> ()
    } else {
    }
    %barrier3A = arith.constant 0 : index
    tpu.barrier barrier_id(%barrier3A)
    tpu.enqueue_dma source(%arg7 : memref<200x128xf32, #tpu.memory_space<vmem_shared>>) target(%arg8 : memref<200x128xf32, #tpu.memory_space<vmem>>) target_semaphore(%arg20 : memref<!tpu.dma_semaphore, #tpu.memory_space<semaphore_mem>>)
    tpu.wait_dma2 semaphore(%arg20 : memref<!tpu.dma_semaphore, #tpu.memory_space<semaphore_mem>>) src(%arg7 : memref<200x128xf32, #tpu.memory_space<vmem_shared>>) dst(%arg8 : memref<200x128xf32, #tpu.memory_space<vmem>>)
    %dma_start3A = arith.constant 0 : i32
    %dma_start3A_3 = arith.constant 0 : i32
    %dma_start3A_4 = arith.constant 0 : i32
    %dma_start3A_5 = tpu.memref_slice %arg8[%dma_start3A_3, %dma_start3A_4] : memref<200x128xf32, #tpu.memory_space<vmem>> -> memref<100x128xf32, #tpu.memory_space<vmem>>
    %dma_start3A_6 = arith.constant 0 : i32
    %dma_start3A_7 = tpu.memref_slice %arg6[%dma_start3A, %dma_start3A_6] : memref<64x100xi32, #tpu.memory_space<vmem>> -> memref<1x100xi32, #tpu.memory_space<vmem>>
    %dma_start3A_8 = tpu.memref_squeeze %dma_start3A_7 : memref<1x100xi32, #tpu.memory_space<vmem>> -> memref<100xi32, #tpu.memory_space<vmem>>
    %dma_start3A_9 = arith.constant 0 : i32
    %dma_start3A_10 = arith.constant 0 : i32
    %dma_start3A_11 = tpu.memref_slice %arg3[%dma_start3A_9, %dma_start3A_10] : memref<100000x128xf32, #tpu.memory_space<hbm>> -> memref<100000x128xf32, #tpu.memory_space<hbm>>
    tpu.enqueue_indirect_dma source(%dma_start3A_11 : memref<100000x128xf32, #tpu.memory_space<hbm>>) target(%dma_start3A_5 : memref<100x128xf32, #tpu.memory_space<vmem>>) offsets(%dma_start3A_8 : memref<100xi32, #tpu.memory_space<vmem>>) semaphore(%arg12 : memref<!tpu.dma_semaphore, #tpu.memory_space<semaphore_mem>>) {add = true}
    %dma_start3A_12 = arith.constant 1 : i32
    %dma_start3A_13 = arith.constant 100 : i32
    %dma_start3A_14 = arith.constant 0 : i32
    %dma_start3A_15 = tpu.memref_slice %arg8[%dma_start3A_13, %dma_start3A_14] : memref<200x128xf32, #tpu.memory_space<vmem>> -> memref<100x128xf32, #tpu.memory_space<vmem>>
    %dma_start3A_16 = arith.constant 0 : i32
    %dma_start3A_17 = tpu.memref_slice %arg6[%dma_start3A_12, %dma_start3A_16] : memref<64x100xi32, #tpu.memory_space<vmem>> -> memref<1x100xi32, #tpu.memory_space<vmem>>
    %dma_start3A_18 = tpu.memref_squeeze %dma_start3A_17 : memref<1x100xi32, #tpu.memory_space<vmem>> -> memref<100xi32, #tpu.memory_space<vmem>>
    %dma_start3A_19 = arith.constant 0 : i32
    %dma_start3A_20 = arith.constant 0 : i32
    %dma_start3A_21 = tpu.memref_slice %arg3[%dma_start3A_19, %dma_start3A_20] : memref<100000x128xf32, #tpu.memory_space<hbm>> -> memref<100000x128xf32, #tpu.memory_space<hbm>>
    tpu.enqueue_indirect_dma source(%dma_start3A_21 : memref<100000x128xf32, #tpu.memory_space<hbm>>) target(%dma_start3A_15 : memref<100x128xf32, #tpu.memory_space<vmem>>) offsets(%dma_start3A_18 : memref<100xi32, #tpu.memory_space<vmem>>) semaphore(%arg12 : memref<!tpu.dma_semaphore, #tpu.memory_space<semaphore_mem>>) {add = true}
    tpu.enqueue_dma source(%arg7 : memref<200x128xf32, #tpu.memory_space<vmem_shared>>) target(%arg9 : memref<200x128xf32, #tpu.memory_space<vmem>>) target_semaphore(%arg21 : memref<!tpu.dma_semaphore, #tpu.memory_space<semaphore_mem>>)
    %scan3A = arith.constant 0 : i32
    %scan3A_22 = arith.constant 0 : i32
    %scan3A_23 = arith.constant 8 : i32
    %scan3A_24 = arith.addi %scan3A_22, %scan3A_23 : i32
    %scan3A_25 = arith.constant 1 : i32
    scf.for %scan3A_38 = %scan3A_22 to %scan3A_24 step %scan3A_25  : i32 {
      %mul3A_39 = arith.constant 4 : i32
      %mul3A_40 = arith.muli %scan3A_38, %mul3A_39 : i32
      %add3A_41 = arith.constant 0 : i32
      %add3A_42 = arith.addi %mul3A_40, %add3A_41 : i32
      %dma_wait3A_43 = arith.constant 0 : i32
      %dma_wait3A_44 = arith.constant 0 : i32
      %dma_wait3A_45 = tpu.memref_slice %arg3[%dma_wait3A_43, %dma_wait3A_44] : memref<100000x128xf32, #tpu.memory_space<hbm>> -> memref<200x128xf32, #tpu.memory_space<hbm>>
      %dma_wait3A_46 = arith.constant 0 : i32
      %dma_wait3A_47 = arith.constant 0 : i32
      %dma_wait3A_48 = tpu.memref_slice %arg3[%dma_wait3A_46, %dma_wait3A_47] : memref<100000x128xf32, #tpu.memory_space<hbm>> -> memref<200x128xf32, #tpu.memory_space<hbm>>
      tpu.wait_dma2 semaphore(%arg12 : memref<!tpu.dma_semaphore, #tpu.memory_space<semaphore_mem>>) src(%dma_wait3A_48 : memref<200x128xf32, #tpu.memory_space<hbm>>) dst(%arg8 : memref<200x128xf32, #tpu.memory_space<vmem>>)
      %mul3A_49 = arith.constant 6400 : i32
      %mul3A_50 = arith.muli %add3A, %mul3A_49 : i32
      %mul3A_51 = arith.constant 200 : i32
      %mul3A_52 = arith.muli %add3A_42, %mul3A_51 : i32
      %add3A_53 = arith.addi %mul3A_50, %mul3A_52 : i32
      %dma_start3A_54 = arith.constant 0 : i32
      %dma_start3A_55 = tpu.memref_slice %arg5[%add3A_53, %dma_start3A_54] : memref<204800x128xf32, #tpu.memory_space<hbm>> -> memref<200x128xf32, #tpu.memory_space<hbm>>
      %dma_start3A_56 = arith.constant 0 : i32
      %dma_start3A_57 = tpu.memref_slice %arg5[%add3A_53, %dma_start3A_56] : memref<204800x128xf32, #tpu.memory_space<hbm>> -> memref<200x128xf32, #tpu.memory_space<hbm>>
      tpu.enqueue_dma source(%arg8 : memref<200x128xf32, #tpu.memory_space<vmem>>) target(%dma_start3A_57 : memref<200x128xf32, #tpu.memory_space<hbm>>) target_semaphore(%arg16 : memref<!tpu.dma_semaphore, #tpu.memory_space<semaphore_mem>>)
      tpu.wait_dma2 semaphore(%arg21 : memref<!tpu.dma_semaphore, #tpu.memory_space<semaphore_mem>>) src(%arg7 : memref<200x128xf32, #tpu.memory_space<vmem_shared>>) dst(%arg9 : memref<200x128xf32, #tpu.memory_space<vmem>>)
      %add3A_58 = arith.constant 1 : i32
      %add3A_59 = arith.addi %add3A_42, %add3A_58 : i32
      %mul3A_60 = arith.constant 2 : i32
      %mul3A_61 = arith.muli %add3A_59, %mul3A_60 : i32
      %add3A_62 = arith.constant 0 : i32
      %add3A_63 = arith.addi %mul3A_61, %add3A_62 : i32
      %dma_start3A_64 = arith.constant 0 : i32
      %dma_start3A_65 = arith.constant 0 : i32
      %dma_start3A_66 = tpu.memref_slice %arg9[%dma_start3A_64, %dma_start3A_65] : memref<200x128xf32, #tpu.memory_space<vmem>> -> memref<100x128xf32, #tpu.memory_space<vmem>>
      %dma_start3A_67 = arith.constant 0 : i32
      %dma_start3A_68 = tpu.memref_slice %arg6[%add3A_63, %dma_start3A_67] : memref<64x100xi32, #tpu.memory_space<vmem>> -> memref<1x100xi32, #tpu.memory_space<vmem>>
      %dma_start3A_69 = tpu.memref_squeeze %dma_start3A_68 : memref<1x100xi32, #tpu.memory_space<vmem>> -> memref<100xi32, #tpu.memory_space<vmem>>
      %dma_start3A_70 = arith.constant 0 : i32
      %dma_start3A_71 = arith.constant 0 : i32
      %dma_start3A_72 = tpu.memref_slice %arg3[%dma_start3A_70, %dma_start3A_71] : memref<100000x128xf32, #tpu.memory_space<hbm>> -> memref<100000x128xf32, #tpu.memory_space<hbm>>
      tpu.enqueue_indirect_dma source(%dma_start3A_72 : memref<100000x128xf32, #tpu.memory_space<hbm>>) target(%dma_start3A_66 : memref<100x128xf32, #tpu.memory_space<vmem>>) offsets(%dma_start3A_69 : memref<100xi32, #tpu.memory_space<vmem>>) semaphore(%arg13 : memref<!tpu.dma_semaphore, #tpu.memory_space<semaphore_mem>>) {add = true}
      %mul3A_73 = arith.constant 2 : i32
      %mul3A_74 = arith.muli %add3A_59, %mul3A_73 : i32
      %add3A_75 = arith.constant 1 : i32
      %add3A_76 = arith.addi %mul3A_74, %add3A_75 : i32
      %dma_start3A_77 = arith.constant 100 : i32
      %dma_start3A_78 = arith.constant 0 : i32
      %dma_start3A_79 = tpu.memref_slice %arg9[%dma_start3A_77, %dma_start3A_78] : memref<200x128xf32, #tpu.memory_space<vmem>> -> memref<100x128xf32, #tpu.memory_space<vmem>>
      %dma_start3A_80 = arith.constant 0 : i32
      %dma_start3A_81 = tpu.memref_slice %arg6[%add3A_76, %dma_start3A_80] : memref<64x100xi32, #tpu.memory_space<vmem>> -> memref<1x100xi32, #tpu.memory_space<vmem>>
      %dma_start3A_82 = tpu.memref_squeeze %dma_start3A_81 : memref<1x100xi32, #tpu.memory_space<vmem>> -> memref<100xi32, #tpu.memory_space<vmem>>
      %dma_start3A_83 = arith.constant 0 : i32
      %dma_start3A_84 = arith.constant 0 : i32
      %dma_start3A_85 = tpu.memref_slice %arg3[%dma_start3A_83, %dma_start3A_84] : memref<100000x128xf32, #tpu.memory_space<hbm>> -> memref<100000x128xf32, #tpu.memory_space<hbm>>
      tpu.enqueue_indirect_dma source(%dma_start3A_85 : memref<100000x128xf32, #tpu.memory_space<hbm>>) target(%dma_start3A_79 : memref<100x128xf32, #tpu.memory_space<vmem>>) offsets(%dma_start3A_82 : memref<100xi32, #tpu.memory_space<vmem>>) semaphore(%arg13 : memref<!tpu.dma_semaphore, #tpu.memory_space<semaphore_mem>>) {add = true}
      %gt3A = arith.constant 0 : i32
      %gt3A_86 = arith.cmpi sgt, %scan3A_38, %gt3A : i32
      %convert_element_type3A_87 = arith.extui %gt3A_86 : i1 to i32
      %cond3A_88 = arith.constant 0 : i32
      %cond3A_89 = arith.cmpi ne, %convert_element_type3A_87, %cond3A_88 : i32
      scf.if %cond3A_89 {
        %dma_wait3A_234 = arith.constant 0 : i32
        %dma_wait3A_235 = arith.constant 0 : i32
        %dma_wait3A_236 = tpu.memref_slice %arg5[%dma_wait3A_234, %dma_wait3A_235] : memref<204800x128xf32, #tpu.memory_space<hbm>> -> memref<200x128xf32, #tpu.memory_space<hbm>>
        %dma_wait3A_237 = arith.constant 0 : i32
        %dma_wait3A_238 = arith.constant 0 : i32
        %dma_wait3A_239 = tpu.memref_slice %arg5[%dma_wait3A_237, %dma_wait3A_238] : memref<204800x128xf32, #tpu.memory_space<hbm>> -> memref<200x128xf32, #tpu.memory_space<hbm>>
        tpu.wait_dma2 semaphore(%arg18 : memref<!tpu.dma_semaphore, #tpu.memory_space<semaphore_mem>>) src(%arg10 : memref<200x128xf32, #tpu.memory_space<vmem>>) dst(%dma_wait3A_239 : memref<200x128xf32, #tpu.memory_space<hbm>>)
      } else {
      }
      tpu.enqueue_dma source(%arg7 : memref<200x128xf32, #tpu.memory_space<vmem_shared>>) target(%arg10 : memref<200x128xf32, #tpu.memory_space<vmem>>) target_semaphore(%arg22 : memref<!tpu.dma_semaphore, #tpu.memory_space<semaphore_mem>>)
      %mul3A_90 = arith.constant 4 : i32
      %mul3A_91 = arith.muli %scan3A_38, %mul3A_90 : i32
      %add3A_92 = arith.constant 1 : i32
      %add3A_93 = arith.addi %mul3A_91, %add3A_92 : i32
      %dma_wait3A_94 = arith.constant 0 : i32
      %dma_wait3A_95 = arith.constant 0 : i32
      %dma_wait3A_96 = tpu.memref_slice %arg3[%dma_wait3A_94, %dma_wait3A_95] : memref<100000x128xf32, #tpu.memory_space<hbm>> -> memref<200x128xf32, #tpu.memory_space<hbm>>
      %dma_wait3A_97 = arith.constant 0 : i32
      %dma_wait3A_98 = arith.constant 0 : i32
      %dma_wait3A_99 = tpu.memref_slice %arg3[%dma_wait3A_97, %dma_wait3A_98] : memref<100000x128xf32, #tpu.memory_space<hbm>> -> memref<200x128xf32, #tpu.memory_space<hbm>>
      tpu.wait_dma2 semaphore(%arg13 : memref<!tpu.dma_semaphore, #tpu.memory_space<semaphore_mem>>) src(%dma_wait3A_99 : memref<200x128xf32, #tpu.memory_space<hbm>>) dst(%arg9 : memref<200x128xf32, #tpu.memory_space<vmem>>)
      %mul3A_100 = arith.constant 6400 : i32
      %mul3A_101 = arith.muli %add3A, %mul3A_100 : i32
      %mul3A_102 = arith.constant 200 : i32
      %mul3A_103 = arith.muli %add3A_93, %mul3A_102 : i32
      %add3A_104 = arith.addi %mul3A_101, %mul3A_103 : i32
      %dma_start3A_105 = arith.constant 0 : i32
      %dma_start3A_106 = tpu.memref_slice %arg5[%add3A_104, %dma_start3A_105] : memref<204800x128xf32, #tpu.memory_space<hbm>> -> memref<200x128xf32, #tpu.memory_space<hbm>>
      %dma_start3A_107 = arith.constant 0 : i32
      %dma_start3A_108 = tpu.memref_slice %arg5[%add3A_104, %dma_start3A_107] : memref<204800x128xf32, #tpu.memory_space<hbm>> -> memref<200x128xf32, #tpu.memory_space<hbm>>
      tpu.enqueue_dma source(%arg9 : memref<200x128xf32, #tpu.memory_space<vmem>>) target(%dma_start3A_108 : memref<200x128xf32, #tpu.memory_space<hbm>>) target_semaphore(%arg17 : memref<!tpu.dma_semaphore, #tpu.memory_space<semaphore_mem>>)
      tpu.wait_dma2 semaphore(%arg22 : memref<!tpu.dma_semaphore, #tpu.memory_space<semaphore_mem>>) src(%arg7 : memref<200x128xf32, #tpu.memory_space<vmem_shared>>) dst(%arg10 : memref<200x128xf32, #tpu.memory_space<vmem>>)
      %add3A_109 = arith.constant 1 : i32
      %add3A_110 = arith.addi %add3A_93, %add3A_109 : i32
      %mul3A_111 = arith.constant 2 : i32
      %mul3A_112 = arith.muli %add3A_110, %mul3A_111 : i32
      %add3A_113 = arith.constant 0 : i32
      %add3A_114 = arith.addi %mul3A_112, %add3A_113 : i32
      %dma_start3A_115 = arith.constant 0 : i32
      %dma_start3A_116 = arith.constant 0 : i32
      %dma_start3A_117 = tpu.memref_slice %arg10[%dma_start3A_115, %dma_start3A_116] : memref<200x128xf32, #tpu.memory_space<vmem>> -> memref<100x128xf32, #tpu.memory_space<vmem>>
      %dma_start3A_118 = arith.constant 0 : i32
      %dma_start3A_119 = tpu.memref_slice %arg6[%add3A_114, %dma_start3A_118] : memref<64x100xi32, #tpu.memory_space<vmem>> -> memref<1x100xi32, #tpu.memory_space<vmem>>
      %dma_start3A_120 = tpu.memref_squeeze %dma_start3A_119 : memref<1x100xi32, #tpu.memory_space<vmem>> -> memref<100xi32, #tpu.memory_space<vmem>>
      %dma_start3A_121 = arith.constant 0 : i32
      %dma_start3A_122 = arith.constant 0 : i32
      %dma_start3A_123 = tpu.memref_slice %arg3[%dma_start3A_121, %dma_start3A_122] : memref<100000x128xf32, #tpu.memory_space<hbm>> -> memref<100000x128xf32, #tpu.memory_space<hbm>>
      tpu.enqueue_indirect_dma source(%dma_start3A_123 : memref<100000x128xf32, #tpu.memory_space<hbm>>) target(%dma_start3A_117 : memref<100x128xf32, #tpu.memory_space<vmem>>) offsets(%dma_start3A_120 : memref<100xi32, #tpu.memory_space<vmem>>) semaphore(%arg14 : memref<!tpu.dma_semaphore, #tpu.memory_space<semaphore_mem>>) {add = true}
      %mul3A_124 = arith.constant 2 : i32
      %mul3A_125 = arith.muli %add3A_110, %mul3A_124 : i32
      %add3A_126 = arith.constant 1 : i32
      %add3A_127 = arith.addi %mul3A_125, %add3A_126 : i32
      %dma_start3A_128 = arith.constant 100 : i32
      %dma_start3A_129 = arith.constant 0 : i32
      %dma_start3A_130 = tpu.memref_slice %arg10[%dma_start3A_128, %dma_start3A_129] : memref<200x128xf32, #tpu.memory_space<vmem>> -> memref<100x128xf32, #tpu.memory_space<vmem>>
      %dma_start3A_131 = arith.constant 0 : i32
      %dma_start3A_132 = tpu.memref_slice %arg6[%add3A_127, %dma_start3A_131] : memref<64x100xi32, #tpu.memory_space<vmem>> -> memref<1x100xi32, #tpu.memory_space<vmem>>
      %dma_start3A_133 = tpu.memref_squeeze %dma_start3A_132 : memref<1x100xi32, #tpu.memory_space<vmem>> -> memref<100xi32, #tpu.memory_space<vmem>>
      %dma_start3A_134 = arith.constant 0 : i32
      %dma_start3A_135 = arith.constant 0 : i32
      %dma_start3A_136 = tpu.memref_slice %arg3[%dma_start3A_134, %dma_start3A_135] : memref<100000x128xf32, #tpu.memory_space<hbm>> -> memref<100000x128xf32, #tpu.memory_space<hbm>>
      tpu.enqueue_indirect_dma source(%dma_start3A_136 : memref<100000x128xf32, #tpu.memory_space<hbm>>) target(%dma_start3A_130 : memref<100x128xf32, #tpu.memory_space<vmem>>) offsets(%dma_start3A_133 : memref<100xi32, #tpu.memory_space<vmem>>) semaphore(%arg14 : memref<!tpu.dma_semaphore, #tpu.memory_space<semaphore_mem>>) {add = true}
      %gt3A_137 = arith.constant 0 : i32
      %gt3A_138 = arith.cmpi sgt, %scan3A_38, %gt3A_137 : i32
      %convert_element_type3A_139 = arith.extui %gt3A_138 : i1 to i32
      %cond3A_140 = arith.constant 0 : i32
      %cond3A_141 = arith.cmpi ne, %convert_element_type3A_139, %cond3A_140 : i32
      scf.if %cond3A_141 {
        %dma_wait3A_234 = arith.constant 0 : i32
        %dma_wait3A_235 = arith.constant 0 : i32
        %dma_wait3A_236 = tpu.memref_slice %arg5[%dma_wait3A_234, %dma_wait3A_235] : memref<204800x128xf32, #tpu.memory_space<hbm>> -> memref<200x128xf32, #tpu.memory_space<hbm>>
        %dma_wait3A_237 = arith.constant 0 : i32
        %dma_wait3A_238 = arith.constant 0 : i32
        %dma_wait3A_239 = tpu.memref_slice %arg5[%dma_wait3A_237, %dma_wait3A_238] : memref<204800x128xf32, #tpu.memory_space<hbm>> -> memref<200x128xf32, #tpu.memory_space<hbm>>
        tpu.wait_dma2 semaphore(%arg19 : memref<!tpu.dma_semaphore, #tpu.memory_space<semaphore_mem>>) src(%arg11 : memref<200x128xf32, #tpu.memory_space<vmem>>) dst(%dma_wait3A_239 : memref<200x128xf32, #tpu.memory_space<hbm>>)
      } else {
      }
      tpu.enqueue_dma source(%arg7 : memref<200x128xf32, #tpu.memory_space<vmem_shared>>) target(%arg11 : memref<200x128xf32, #tpu.memory_space<vmem>>) target_semaphore(%arg23 : memref<!tpu.dma_semaphore, #tpu.memory_space<semaphore_mem>>)
      %mul3A_142 = arith.constant 4 : i32
      %mul3A_143 = arith.muli %scan3A_38, %mul3A_142 : i32
      %add3A_144 = arith.constant 2 : i32
      %add3A_145 = arith.addi %mul3A_143, %add3A_144 : i32
      %dma_wait3A_146 = arith.constant 0 : i32
      %dma_wait3A_147 = arith.constant 0 : i32
      %dma_wait3A_148 = tpu.memref_slice %arg3[%dma_wait3A_146, %dma_wait3A_147] : memref<100000x128xf32, #tpu.memory_space<hbm>> -> memref<200x128xf32, #tpu.memory_space<hbm>>
      %dma_wait3A_149 = arith.constant 0 : i32
      %dma_wait3A_150 = arith.constant 0 : i32
      %dma_wait3A_151 = tpu.memref_slice %arg3[%dma_wait3A_149, %dma_wait3A_150] : memref<100000x128xf32, #tpu.memory_space<hbm>> -> memref<200x128xf32, #tpu.memory_space<hbm>>
      tpu.wait_dma2 semaphore(%arg14 : memref<!tpu.dma_semaphore, #tpu.memory_space<semaphore_mem>>) src(%dma_wait3A_151 : memref<200x128xf32, #tpu.memory_space<hbm>>) dst(%arg10 : memref<200x128xf32, #tpu.memory_space<vmem>>)
      %mul3A_152 = arith.constant 6400 : i32
      %mul3A_153 = arith.muli %add3A, %mul3A_152 : i32
      %mul3A_154 = arith.constant 200 : i32
      %mul3A_155 = arith.muli %add3A_145, %mul3A_154 : i32
      %add3A_156 = arith.addi %mul3A_153, %mul3A_155 : i32
      %dma_start3A_157 = arith.constant 0 : i32
      %dma_start3A_158 = tpu.memref_slice %arg5[%add3A_156, %dma_start3A_157] : memref<204800x128xf32, #tpu.memory_space<hbm>> -> memref<200x128xf32, #tpu.memory_space<hbm>>
      %dma_start3A_159 = arith.constant 0 : i32
      %dma_start3A_160 = tpu.memref_slice %arg5[%add3A_156, %dma_start3A_159] : memref<204800x128xf32, #tpu.memory_space<hbm>> -> memref<200x128xf32, #tpu.memory_space<hbm>>
      tpu.enqueue_dma source(%arg10 : memref<200x128xf32, #tpu.memory_space<vmem>>) target(%dma_start3A_160 : memref<200x128xf32, #tpu.memory_space<hbm>>) target_semaphore(%arg18 : memref<!tpu.dma_semaphore, #tpu.memory_space<semaphore_mem>>)
      tpu.wait_dma2 semaphore(%arg23 : memref<!tpu.dma_semaphore, #tpu.memory_space<semaphore_mem>>) src(%arg7 : memref<200x128xf32, #tpu.memory_space<vmem_shared>>) dst(%arg11 : memref<200x128xf32, #tpu.memory_space<vmem>>)
      %add3A_161 = arith.constant 1 : i32
      %add3A_162 = arith.addi %add3A_145, %add3A_161 : i32
      %mul3A_163 = arith.constant 2 : i32
      %mul3A_164 = arith.muli %add3A_162, %mul3A_163 : i32
      %add3A_165 = arith.constant 0 : i32
      %add3A_166 = arith.addi %mul3A_164, %add3A_165 : i32
      %dma_start3A_167 = arith.constant 0 : i32
      %dma_start3A_168 = arith.constant 0 : i32
      %dma_start3A_169 = tpu.memref_slice %arg11[%dma_start3A_167, %dma_start3A_168] : memref<200x128xf32, #tpu.memory_space<vmem>> -> memref<100x128xf32, #tpu.memory_space<vmem>>
      %dma_start3A_170 = arith.constant 0 : i32
      %dma_start3A_171 = tpu.memref_slice %arg6[%add3A_166, %dma_start3A_170] : memref<64x100xi32, #tpu.memory_space<vmem>> -> memref<1x100xi32, #tpu.memory_space<vmem>>
      %dma_start3A_172 = tpu.memref_squeeze %dma_start3A_171 : memref<1x100xi32, #tpu.memory_space<vmem>> -> memref<100xi32, #tpu.memory_space<vmem>>
      %dma_start3A_173 = arith.constant 0 : i32
      %dma_start3A_174 = arith.constant 0 : i32
      %dma_start3A_175 = tpu.memref_slice %arg3[%dma_start3A_173, %dma_start3A_174] : memref<100000x128xf32, #tpu.memory_space<hbm>> -> memref<100000x128xf32, #tpu.memory_space<hbm>>
      tpu.enqueue_indirect_dma source(%dma_start3A_175 : memref<100000x128xf32, #tpu.memory_space<hbm>>) target(%dma_start3A_169 : memref<100x128xf32, #tpu.memory_space<vmem>>) offsets(%dma_start3A_172 : memref<100xi32, #tpu.memory_space<vmem>>) semaphore(%arg15 : memref<!tpu.dma_semaphore, #tpu.memory_space<semaphore_mem>>) {add = true}
      %mul3A_176 = arith.constant 2 : i32
      %mul3A_177 = arith.muli %add3A_162, %mul3A_176 : i32
      %add3A_178 = arith.constant 1 : i32
      %add3A_179 = arith.addi %mul3A_177, %add3A_178 : i32
      %dma_start3A_180 = arith.constant 100 : i32
      %dma_start3A_181 = arith.constant 0 : i32
      %dma_start3A_182 = tpu.memref_slice %arg11[%dma_start3A_180, %dma_start3A_181] : memref<200x128xf32, #tpu.memory_space<vmem>> -> memref<100x128xf32, #tpu.memory_space<vmem>>
      %dma_start3A_183 = arith.constant 0 : i32
      %dma_start3A_184 = tpu.memref_slice %arg6[%add3A_179, %dma_start3A_183] : memref<64x100xi32, #tpu.memory_space<vmem>> -> memref<1x100xi32, #tpu.memory_space<vmem>>
      %dma_start3A_185 = tpu.memref_squeeze %dma_start3A_184 : memref<1x100xi32, #tpu.memory_space<vmem>> -> memref<100xi32, #tpu.memory_space<vmem>>
      %dma_start3A_186 = arith.constant 0 : i32
      %dma_start3A_187 = arith.constant 0 : i32
      %dma_start3A_188 = tpu.memref_slice %arg3[%dma_start3A_186, %dma_start3A_187] : memref<100000x128xf32, #tpu.memory_space<hbm>> -> memref<100000x128xf32, #tpu.memory_space<hbm>>
      tpu.enqueue_indirect_dma source(%dma_start3A_188 : memref<100000x128xf32, #tpu.memory_space<hbm>>) target(%dma_start3A_182 : memref<100x128xf32, #tpu.memory_space<vmem>>) offsets(%dma_start3A_185 : memref<100xi32, #tpu.memory_space<vmem>>) semaphore(%arg15 : memref<!tpu.dma_semaphore, #tpu.memory_space<semaphore_mem>>) {add = true}
      %dma_wait3A_189 = arith.constant 0 : i32
      %dma_wait3A_190 = arith.constant 0 : i32
      %dma_wait3A_191 = tpu.memref_slice %arg5[%dma_wait3A_189, %dma_wait3A_190] : memref<204800x128xf32, #tpu.memory_space<hbm>> -> memref<200x128xf32, #tpu.memory_space<hbm>>
      %dma_wait3A_192 = arith.constant 0 : i32
      %dma_wait3A_193 = arith.constant 0 : i32
      %dma_wait3A_194 = tpu.memref_slice %arg5[%dma_wait3A_192, %dma_wait3A_193] : memref<204800x128xf32, #tpu.memory_space<hbm>> -> memref<200x128xf32, #tpu.memory_space<hbm>>
      tpu.wait_dma2 semaphore(%arg16 : memref<!tpu.dma_semaphore, #tpu.memory_space<semaphore_mem>>) src(%arg8 : memref<200x128xf32, #tpu.memory_space<vmem>>) dst(%dma_wait3A_194 : memref<200x128xf32, #tpu.memory_space<hbm>>)
      %lt3A = arith.constant 7 : i32
      %lt3A_195 = arith.cmpi slt, %scan3A_38, %lt3A : i32
      %convert_element_type3A_196 = arith.extui %lt3A_195 : i1 to i32
      %cond3A_197 = arith.constant 0 : i32
      %cond3A_198 = arith.cmpi ne, %convert_element_type3A_196, %cond3A_197 : i32
      scf.if %cond3A_198 {
        tpu.enqueue_dma source(%arg7 : memref<200x128xf32, #tpu.memory_space<vmem_shared>>) target(%arg8 : memref<200x128xf32, #tpu.memory_space<vmem>>) target_semaphore(%arg20 : memref<!tpu.dma_semaphore, #tpu.memory_space<semaphore_mem>>)
      } else {
      }
      %mul3A_199 = arith.constant 4 : i32
      %mul3A_200 = arith.muli %scan3A_38, %mul3A_199 : i32
      %add3A_201 = arith.constant 3 : i32
      %add3A_202 = arith.addi %mul3A_200, %add3A_201 : i32
      %dma_wait3A_203 = arith.constant 0 : i32
      %dma_wait3A_204 = arith.constant 0 : i32
      %dma_wait3A_205 = tpu.memref_slice %arg3[%dma_wait3A_203, %dma_wait3A_204] : memref<100000x128xf32, #tpu.memory_space<hbm>> -> memref<200x128xf32, #tpu.memory_space<hbm>>
      %dma_wait3A_206 = arith.constant 0 : i32
      %dma_wait3A_207 = arith.constant 0 : i32
      %dma_wait3A_208 = tpu.memref_slice %arg3[%dma_wait3A_206, %dma_wait3A_207] : memref<100000x128xf32, #tpu.memory_space<hbm>> -> memref<200x128xf32, #tpu.memory_space<hbm>>
      tpu.wait_dma2 semaphore(%arg15 : memref<!tpu.dma_semaphore, #tpu.memory_space<semaphore_mem>>) src(%dma_wait3A_208 : memref<200x128xf32, #tpu.memory_space<hbm>>) dst(%arg11 : memref<200x128xf32, #tpu.memory_space<vmem>>)
      %mul3A_209 = arith.constant 6400 : i32
      %mul3A_210 = arith.muli %add3A, %mul3A_209 : i32
      %mul3A_211 = arith.constant 200 : i32
      %mul3A_212 = arith.muli %add3A_202, %mul3A_211 : i32
      %add3A_213 = arith.addi %mul3A_210, %mul3A_212 : i32
      %dma_start3A_214 = arith.constant 0 : i32
      %dma_start3A_215 = tpu.memref_slice %arg5[%add3A_213, %dma_start3A_214] : memref<204800x128xf32, #tpu.memory_space<hbm>> -> memref<200x128xf32, #tpu.memory_space<hbm>>
      %dma_start3A_216 = arith.constant 0 : i32
      %dma_start3A_217 = tpu.memref_slice %arg5[%add3A_213, %dma_start3A_216] : memref<204800x128xf32, #tpu.memory_space<hbm>> -> memref<200x128xf32, #tpu.memory_space<hbm>>
      tpu.enqueue_dma source(%arg11 : memref<200x128xf32, #tpu.memory_space<vmem>>) target(%dma_start3A_217 : memref<200x128xf32, #tpu.memory_space<hbm>>) target_semaphore(%arg19 : memref<!tpu.dma_semaphore, #tpu.memory_space<semaphore_mem>>)
      %lt3A_218 = arith.constant 7 : i32
      %lt3A_219 = arith.cmpi slt, %scan3A_38, %lt3A_218 : i32
      %convert_element_type3A_220 = arith.extui %lt3A_219 : i1 to i32
      %cond3A_221 = arith.constant 0 : i32
      %cond3A_222 = arith.cmpi ne, %convert_element_type3A_220, %cond3A_221 : i32
      scf.if %cond3A_222 {
        tpu.wait_dma2 semaphore(%arg20 : memref<!tpu.dma_semaphore, #tpu.memory_space<semaphore_mem>>) src(%arg7 : memref<200x128xf32, #tpu.memory_space<vmem_shared>>) dst(%arg8 : memref<200x128xf32, #tpu.memory_space<vmem>>)
        %add3A_234 = arith.constant 1 : i32
        %add3A_235 = arith.addi %add3A_202, %add3A_234 : i32
        %mul3A_236 = arith.constant 2 : i32
        %mul3A_237 = arith.muli %add3A_235, %mul3A_236 : i32
        %add3A_238 = arith.constant 0 : i32
        %add3A_239 = arith.addi %mul3A_237, %add3A_238 : i32
        %dma_start3A_240 = arith.constant 0 : i32
        %dma_start3A_241 = arith.constant 0 : i32
        %dma_start3A_242 = tpu.memref_slice %arg8[%dma_start3A_240, %dma_start3A_241] : memref<200x128xf32, #tpu.memory_space<vmem>> -> memref<100x128xf32, #tpu.memory_space<vmem>>
        %dma_start3A_243 = arith.constant 0 : i32
        %dma_start3A_244 = tpu.memref_slice %arg6[%add3A_239, %dma_start3A_243] : memref<64x100xi32, #tpu.memory_space<vmem>> -> memref<1x100xi32, #tpu.memory_space<vmem>>
        %dma_start3A_245 = tpu.memref_squeeze %dma_start3A_244 : memref<1x100xi32, #tpu.memory_space<vmem>> -> memref<100xi32, #tpu.memory_space<vmem>>
        %dma_start3A_246 = arith.constant 0 : i32
        %dma_start3A_247 = arith.constant 0 : i32
        %dma_start3A_248 = tpu.memref_slice %arg3[%dma_start3A_246, %dma_start3A_247] : memref<100000x128xf32, #tpu.memory_space<hbm>> -> memref<100000x128xf32, #tpu.memory_space<hbm>>
        tpu.enqueue_indirect_dma source(%dma_start3A_248 : memref<100000x128xf32, #tpu.memory_space<hbm>>) target(%dma_start3A_242 : memref<100x128xf32, #tpu.memory_space<vmem>>) offsets(%dma_start3A_245 : memref<100xi32, #tpu.memory_space<vmem>>) semaphore(%arg12 : memref<!tpu.dma_semaphore, #tpu.memory_space<semaphore_mem>>) {add = true}
        %mul3A_249 = arith.constant 2 : i32
        %mul3A_250 = arith.muli %add3A_235, %mul3A_249 : i32
        %add3A_251 = arith.constant 1 : i32
        %add3A_252 = arith.addi %mul3A_250, %add3A_251 : i32
        %dma_start3A_253 = arith.constant 100 : i32
        %dma_start3A_254 = arith.constant 0 : i32
        %dma_start3A_255 = tpu.memref_slice %arg8[%dma_start3A_253, %dma_start3A_254] : memref<200x128xf32, #tpu.memory_space<vmem>> -> memref<100x128xf32, #tpu.memory_space<vmem>>
        %dma_start3A_256 = arith.constant 0 : i32
        %dma_start3A_257 = tpu.memref_slice %arg6[%add3A_252, %dma_start3A_256] : memref<64x100xi32, #tpu.memory_space<vmem>> -> memref<1x100xi32, #tpu.memory_space<vmem>>
        %dma_start3A_258 = tpu.memref_squeeze %dma_start3A_257 : memref<1x100xi32, #tpu.memory_space<vmem>> -> memref<100xi32, #tpu.memory_space<vmem>>
        %dma_start3A_259 = arith.constant 0 : i32
        %dma_start3A_260 = arith.constant 0 : i32
        %dma_start3A_261 = tpu.memref_slice %arg3[%dma_start3A_259, %dma_start3A_260] : memref<100000x128xf32, #tpu.memory_space<hbm>> -> memref<100000x128xf32, #tpu.memory_space<hbm>>
        tpu.enqueue_indirect_dma source(%dma_start3A_261 : memref<100000x128xf32, #tpu.memory_space<hbm>>) target(%dma_start3A_255 : memref<100x128xf32, #tpu.memory_space<vmem>>) offsets(%dma_start3A_258 : memref<100xi32, #tpu.memory_space<vmem>>) semaphore(%arg12 : memref<!tpu.dma_semaphore, #tpu.memory_space<semaphore_mem>>) {add = true}
      } else {
      }
      %dma_wait3A_223 = arith.constant 0 : i32
      %dma_wait3A_224 = arith.constant 0 : i32
      %dma_wait3A_225 = tpu.memref_slice %arg5[%dma_wait3A_223, %dma_wait3A_224] : memref<204800x128xf32, #tpu.memory_space<hbm>> -> memref<200x128xf32, #tpu.memory_space<hbm>>
      %dma_wait3A_226 = arith.constant 0 : i32
      %dma_wait3A_227 = arith.constant 0 : i32
      %dma_wait3A_228 = tpu.memref_slice %arg5[%dma_wait3A_226, %dma_wait3A_227] : memref<204800x128xf32, #tpu.memory_space<hbm>> -> memref<200x128xf32, #tpu.memory_space<hbm>>
      tpu.wait_dma2 semaphore(%arg17 : memref<!tpu.dma_semaphore, #tpu.memory_space<semaphore_mem>>) src(%arg9 : memref<200x128xf32, #tpu.memory_space<vmem>>) dst(%dma_wait3A_228 : memref<200x128xf32, #tpu.memory_space<hbm>>)
      %lt3A_229 = arith.constant 7 : i32
      %lt3A_230 = arith.cmpi slt, %scan3A_38, %lt3A_229 : i32
      %convert_element_type3A_231 = arith.extui %lt3A_230 : i1 to i32
      %cond3A_232 = arith.constant 0 : i32
      %cond3A_233 = arith.cmpi ne, %convert_element_type3A_231, %cond3A_232 : i32
      scf.if %cond3A_233 {
        tpu.enqueue_dma source(%arg7 : memref<200x128xf32, #tpu.memory_space<vmem_shared>>) target(%arg9 : memref<200x128xf32, #tpu.memory_space<vmem>>) target_semaphore(%arg21 : memref<!tpu.dma_semaphore, #tpu.memory_space<semaphore_mem>>)
      } else {
      }
    }
    %scan3A_26 = arith.constant 8 : i32
    %dma_wait3A = arith.constant 0 : i32
    %dma_wait3A_27 = arith.constant 0 : i32
    %dma_wait3A_28 = tpu.memref_slice %arg5[%dma_wait3A, %dma_wait3A_27] : memref<204800x128xf32, #tpu.memory_space<hbm>> -> memref<200x128xf32, #tpu.memory_space<hbm>>
    %dma_wait3A_29 = arith.constant 0 : i32
    %dma_wait3A_30 = arith.constant 0 : i32
    %dma_wait3A_31 = tpu.memref_slice %arg5[%dma_wait3A_29, %dma_wait3A_30] : memref<204800x128xf32, #tpu.memory_space<hbm>> -> memref<200x128xf32, #tpu.memory_space<hbm>>
    tpu.wait_dma2 semaphore(%arg18 : memref<!tpu.dma_semaphore, #tpu.memory_space<semaphore_mem>>) src(%arg10 : memref<200x128xf32, #tpu.memory_space<vmem>>) dst(%dma_wait3A_31 : memref<200x128xf32, #tpu.memory_space<hbm>>)
    %dma_wait3A_32 = arith.constant 0 : i32
    %dma_wait3A_33 = arith.constant 0 : i32
    %dma_wait3A_34 = tpu.memref_slice %arg5[%dma_wait3A_32, %dma_wait3A_33] : memref<204800x128xf32, #tpu.memory_space<hbm>> -> memref<200x128xf32, #tpu.memory_space<hbm>>
    %dma_wait3A_35 = arith.constant 0 : i32
    %dma_wait3A_36 = arith.constant 0 : i32
    %dma_wait3A_37 = tpu.memref_slice %arg5[%dma_wait3A_35, %dma_wait3A_36] : memref<204800x128xf32, #tpu.memory_space<hbm>> -> memref<200x128xf32, #tpu.memory_space<hbm>>
    tpu.wait_dma2 semaphore(%arg19 : memref<!tpu.dma_semaphore, #tpu.memory_space<semaphore_mem>>) src(%arg11 : memref<200x128xf32, #tpu.memory_space<vmem>>) dst(%dma_wait3A_37 : memref<200x128xf32, #tpu.memory_space<hbm>>)
    return
  }
}

</mosaic_0001>

<sc_bundles>
// kernel: _embed.3.cloned.1.call-start
scs
__scs_entry_jumppad:
0x0: {  	(pc) =	sbr.rel $0x88, $3  }
0x1: {  	(tag) =	ssettag $0x0;
	lr =	simm.s32 $0x1  }
0x2: {  	[smem:$0x3F9E] =	sst lr;
	_ =	strace $0xD0000000  }
0x3: {  	_ = 	snop  }
0x4: {  	_ = 	snop  }
0x5: {  	_ = 	snop  }
0x6: {  	_ = 	snop  }
0x7: {  	_ = 	snop  }
__scs_overlays_trampoline_lowered:
0x8: {  	[smem:$0x3FAD] =	sst s0  }
0x9: {  	[smem:$0x3FAE] =	sst s1  }
0xa: {  	[smem:$0x3FAF] =	sst s2  }
0xb: {  	[smem:$0x3FB0] =	sst s3  }
0xc: {  	[smem:$0x3FB1] =	sst s4  }
0xd: {  	[smem:$0x3FB2] =	sst s5  }
0xe: {  	[smem:$0x3FB3] =	sst s6  }
0xf: {  	[smem:$0x3FB4] =	sst s7  }
0x10: {  	[smem:$0x3FB5] =	sst s8  }
0x11: {  	[smem:$0x3FB6] =	sst s9;
	s0 =	simm.s32 @!p0 $0x0  }
0x12: {  	s1 =	sld [smem:$0x3F9C];
	s0 =	simm.s32 @p0 $0x1  }
0x13: {  	[smem:$0x3FB7] =	sst s0;
	s0 =	simm.s32 @!p1 $0x0  }
0x14: {  	s2 =	sld [smem:$0x3F9B];
	s0 =	simm.s32 @p1 $0x1  }
0x15: {  	[smem:$0x3FB8] =	sst s0;
	s0 =	simm.s32 @!p2 $0x0  }
0x16: {  	s3 =	sld [smem:$0x3FDB];
	s0 =	simm.s32 @p2 $0x1  }
0x17: {  	s4 =	simm.s32 $0x1BF5;
	[smem:$0x3FBA] =	sst s0  }
0x18: {  	s0 =	sld [smem:$0x3F9D];
	_ =	swait.ge [sflag:s4], $0x0  }
0x19: {  	s7 =	sld [smem:$0x3F9E]  }
0x1a: {  	s8 =	sadd.s32 $0xFFFFE003, lr  }
0x1b: {  	s9 =	sadd.s32 $0xFFFFFEF7, lr;
	s5 =	simm.s32 $0xFFFFFFFF;
	p2 =	slt.u32 s8, $0xFFFFF086  }
0x1c: {  	p1 =	slt.u32 s9, $0xF7A;
	s5 =	simm.s32 @!p2 $0x0  }
0x1d: {  	s5 =	simm.s32 @p1 $0x1;
	p0 =	seq.s32 s7, s2  }
0x1e: {  	s7 =	smul.u32 @!p0 $0xF7A, s2;
	p2 =	seq.s32 @!p0 s5, $0x0  }
0x1f: {  	s9 =	smul.u32 $0xF7A, s1;
	s8 =	simm.s32 @!p0 $0x1BF5;
	p2 =	por !p2, p0  }
0x20: {  	[sflag:s8] =	ssyncset.s32 @!p0 $0xFFFFF086;
	s6 =	sadd.s32 @!p0 s3, s7;
	s7 =	simm.s32 @!p0 $0x108  }
0x21: {  	s3 =	sadd.s32 s3, s9;
	s6 =	sadd.s32 @!p0 $0x88, s6;
	s7 =	simm.s32 @p2 $0x1082  }
0x22: {  	[simem:s7], [sflag:s8] =	dma.local @!p0 [hbm:s6], $0xF7A  }
0x23: {  	s9 =	sor.u32 $0xD0000000, s2;
	s6 =	simm.s32 $0x108;
	_ =	swait.ge @!p0 [sflag:s8], $0x0  }
0x24: {  	s3 =	sadd.s32 $0x88, s3;
	s6 =	simm.s32 @!p1 $0x1082;
	[sflag:s4] =	ssyncset.s32 $0xFFFFF086  }
0x25: {  	[simem:s6], [sflag:s4] =	dma.local [hbm:s3], $0xF7A  }
0x26: {  	[smem:$0x3F9E] =	sst s1;
	(tag) =	ssettag s2;
	_ =	strace s9  }
0x27: {  	s1 =	sld [smem:$0x3FAE]  }
0x28: {  	s2 =	sld [smem:$0x3FAF]  }
0x29: {  	s4 =	sld [smem:$0x3FB1]  }
0x2a: {  	p0 =	seq.s32 s5, $0x0;
	s5 =	sld [smem:$0x3FB2]  }
0x2b: {  	s6 =	sld [smem:$0x3FB3]  }
0x2c: {  	s7 =	sld [smem:$0x3FB4]  }
0x2d: {  	s3 =	simm.s32 $0x108;
	s8 =	sld [smem:$0x3FB5]  }
0x2e: {  	s3 =	simm.s32 @!p0 $0x1082;
	s9 =	sld [smem:$0x3FB6]  }
0x2f: {  	lr =	sadd.s32 s0, s3;
	s0 =	sld [smem:$0x3FAD]  }
0x30: {  	s3 =	sld [smem:$0x3FB0]  }
0x31: {  	[smem:$0x3FB9] =	sst s10  }
0x32: {  	s10 =	sld [smem:$0x3FB7];
	_ =	sdelay $0x3  }
0x33: {  	p0 =	seq.s32 s10, $0x1;
	s10 =	sld [smem:$0x3FB9];
	_ =	sdelay $0x3  }
0x34: {  	[smem:$0x3FB9] =	sst s10  }
0x35: {  	s10 =	sld [smem:$0x3FB8];
	_ =	sdelay $0x3  }
0x36: {  	p1 =	seq.s32 s10, $0x1;
	s10 =	sld [smem:$0x3FB9];
	_ =	sdelay $0x3  }
0x37: {  	[smem:$0x3FB9] =	sst s10  }
0x38: {  	s10 =	sld [smem:$0x3FBA]  }
0x39: {  	_ = 	snop;
	(pc) =	sbr.ind lr, $3  }
0x3a: {  	_ = 	snop  }
0x3b: {  	_ = 	snop  }
0x3c: {  	p2 =	seq.s32 s10, $0x1;
	s10 =	sld [smem:$0x3FB9]  }
0x3d: {  	_ =	shalt  }
0x3e: {  	_ =	shalt  }
0x3f: {  	_ =	shalt  }
0x40: {  	_ =	shalt  }
0x41: {  	_ =	shalt  }
0x42: {  	_ =	shalt  }
0x43: {  	_ =	shalt  }
0x44: {  	_ =	shalt  }
0x45: {  	_ =	shalt  }
0x46: {  	_ =	shalt  }
0x47: {  	_ =	shalt  }
0x48: {  	_ =	shalt  }
0x49: {  	_ =	shalt  }
0x4a: {  	_ =	shalt  }
0x4b: {  	_ =	shalt  }
0x4c: {  	_ =	shalt  }
0x4d: {  	_ =	shalt  }
0x4e: {  	_ =	shalt  }
0x4f: {  	_ =	shalt  }
0x50: {  	_ =	shalt  }
0x51: {  	_ =	shalt  }
0x52: {  	_ =	shalt  }
0x53: {  	_ =	shalt  }
0x54: {  	_ =	shalt  }
0x55: {  	_ =	shalt  }
0x56: {  	_ =	shalt  }
0x57: {  	_ =	shalt  }
0x58: {  	_ =	shalt  }
0x59: {  	_ =	shalt  }
0x5a: {  	_ =	shalt  }
0x5b: {  	_ =	shalt  }
0x5c: {  	_ =	shalt  }
0x5d: {  	_ =	shalt  }
0x5e: {  	_ =	shalt  }
0x5f: {  	_ =	shalt  }
0x60: {  	_ =	shalt  }
0x61: {  	_ =	shalt  }
0x62: {  	_ =	shalt  }
0x63: {  	_ =	shalt  }
0x64: {  	_ =	shalt  }
0x65: {  	_ =	shalt  }
0x66: {  	_ =	shalt  }
0x67: {  	_ =	shalt  }
0x68: {  	_ =	shalt  }
0x69: {  	_ =	shalt  }
0x6a: {  	_ =	shalt  }
0x6b: {  	_ =	shalt  }
0x6c: {  	_ =	shalt  }
0x6d: {  	_ =	shalt  }
0x6e: {  	_ =	shalt  }
0x6f: {  	_ =	shalt  }
0x70: {  	_ =	shalt  }
0x71: {  	_ =	shalt  }
0x72: {  	_ =	shalt  }
0x73: {  	_ =	shalt  }
0x74: {  	_ =	shalt  }
0x75: {  	_ =	shalt  }
0x76: {  	_ =	shalt  }
0x77: {  	_ =	shalt  }
0x78: {  	_ =	shalt  }
0x79: {  	_ =	shalt  }
0x7a: {  	_ =	shalt  }
0x7b: {  	_ =	shalt  }
0x7c: {  	_ =	shalt  }
0x7d: {  	_ =	shalt  }
0x7e: {  	_ =	shalt  }
0x7f: {  	_ =	shalt  }
0x80: {  	_ =	shalt  }
0x81: {  	_ =	shalt  }
0x82: {  	_ =	shalt  }
0x83: {  	_ =	shalt  }
0x84: {  	_ =	shalt  }
0x85: {  	_ =	shalt  }
0x86: {  	_ =	shalt  }
0x87: {  	_ =	shalt  }
.Lfunc_end0:
.L_simem_size_0:
called_computation_lowered:
.L_overlay_start_0:
0x88: {  	s2 =	sld [smem:$0x3FD9]  }
0x89: {  	s3 =	sld [smem:$0x3FFE];
	_ =	sdelay $0x1  }
0x8a: {  	s1 =	srdreg.scid  }
0x8b: {  	s0 =	sand.u32 $0x1, s1  }
0x8c: {  	s18 =	sshll.u32 s0, $0xA;
	s2 =	sadd.s32 s3, s2  }
0x8d: {  	s2 =	sadd.s32 s2, s18  }
0x8e: {  	[smem:$0x3FC5] =	sst s2  }
0x8f: {  	_ = 	snop  }
0x90: {  	s2 =	sld [smem:$0x3FC9]  }
0x91: {  	s19 =	sld [smem:$0x3FC8]  }
0x92: {  	s4 =	sld [smem:$0x3FC7]  }
0x93: {  	s5 =	sld [smem:$0x3FD0];
	(tm) =	ssettm $0x1  }
0x94: {  	s6 =	sld [smem:$0x3FFB];
	_ =	sdelay $0x3  }
0x95: {  	_ =	strace s6  }
0x96: {  	s6 =	sld [smem:$0x3FFC];
	_ =	sdelay $0x3  }
0x97: {  	_ =	strace s6  }
0x98: {  	s6 =	sld [smem:$0x3FFD];
	_ =	sdelay $0x3  }
0x99: {  	_ =	strace s6  }
0x9a: {  	_ =	strace $0x8FFFFFFF  }
0x9b: {  	s20 =	sld [smem:$0x3FDB];
	_ =	sdelay $0x1  }
0x9c: {  	s7 =	simm.s32 $_scs_section_size  }
0x9d: {  	s8 =	simm.s32 $_size__tile_overlayer_lowered;
	s9 =	simm.s32 $_tile_overlayer_lowered  }
0x9e: {  	s23 =	simm.s32 $0x1BFF;
	s22 =	sshll.u32 s9, $0x1;
	s6 =	sadd.s32 s7, s20  }
0x9f: {  	s10 =	simm.s32 $0x0;
	s21 =	sshll.u32 s8, $0x1;
	s8 =	sadd.s32 s22, s6  }
0xa0: {  	[timem:s10], [sflag:s23] =	dma.local [hbm:s8], s21  }
0xa1: {  	_ =	swait.ge [sflag:s23], s21  }
0xa2: {  	s7 =	ssub.s32 $0x0, s21;
	[sflag:s23] =	ssyncset.done $0x0  }
0xa3: {  	[sflag:s23] =	ssyncadd.s32 s7;
	_ =	sdelay $0x1  }
0xa4: {  	s24 =	simm.s32 $0x1B8B  }
0xa5: {  	_ =	swait.ge [sflag:s24], $0x1  }
0xa6: {  	[sflag:s24] =	ssyncset.done $0x0  }
0xa7: {  	s25 =	simm.s32 $0x1B8E;
	[sflag:s24] =	ssyncadd.s32 $0xFFFFFFFF  }
0xa8: {  	s26 =	simm.s32 $execute0_lowered;
	[smem:$0x3FD2] =	sst s25  }
0xa9: {  	s7 =	sshll.u32 s26, $0x1;
	_ =	strace $0x80000046;
	[dreg:$0x1] =	wrdreg $0xFFFFFFFF  }
0xaa: {  	s28 =	simm.s32 $_size_execute0_lowered;
	s6 =	sadd.s32 s6, s7;
	[dreg:$0x0] =	wrdreg $0x0  }
0xab: {  	s7 =	sshll.u32 s28, $0x1;
	[dreg:$0x2] =	wrdreg s6  }
0xac: {  	[dreg:$0x3] =	wrdreg s7  }
0xad: {  	[dreg:$0x4] =	wrdreg $0xC0  }
0xae: {  	_ =	task [dreg:s10], $0x5FFFF  }
0xaf: {  	[dreg:$0x1] =	wrdreg $0xFFFFFFFF  }
0xb0: {  	[dreg:$0x0] =	wrdreg $0x60  }
0xb1: {  	[dreg:$0x2] =	wrdreg s2  }
0xb2: {  	[dreg:$0x3] =	wrdreg s19  }
0xb3: {  	[dreg:$0x4] =	wrdreg s4  }
0xb4: {  	[dreg:$0x5] =	wrdreg s5  }
0xb5: {  	[dreg:$0x6] =	wrdreg $0x20000  }
0xb6: {  	[dreg:$0x7] =	wrdreg $0x9  }
0xb7: {  	_ =	task.clear_ibuf [dreg:s10], $0x8FFFF;
	_ =	strace $0x90000046  }
0xb8: {  	s29 =	simm.s32 $0x9;
	_ =	strace $0x80000048  }
0xb9: {  	_ =	swait.ge [sflag:s29], $0x1  }
0xba: {  	[sflag:s29] =	ssyncadd.s32 $0xFFFFFFFF  }
0xbb: {  	_ =	strace $0x90000048  }
0xbc: {  	_ =	sfence  }
0xbd: {  	s30 =	sld [smem:$0x0];
	_ =	sdelay $0x2  }
0xbe: {  	s31 =	sshll.u32 s1, $0xD;
	s1 =	sshrl.u32 s1, $0x2  }
0xbf: {  	s3 =	sand.u32 $0x4000, s31;
	s1 =	sadd.s32 s1, s30  }
0xc0: {  	s0 =	sor.u32 s3, s0;
	s1 =	sshll.u32 s1, $0x11  }
0xc1: {  	s0 =	sor.u32 s1, s0  }
0xc2: {  	s0 =	sadd.s32 $0x8F2B, s0  }
0xc3: {  	[sflag:s0] =	ssyncadd.remote.s32 $0x1  }
0xc4: {  	_ =	sfence.sel $0xFFFF  }
0xc5: {  	[dreg:$0x0] =	wrdreg $0xFFFFFFFF;
	(pc) =	sbr.abs _section_cstart, $3  }
0xc6: {  	[dreg:$0x1] =	wrdreg $0xFFFFFFFF  }
0xc7: {  	_ =	task.clear_ibuf [dreg:s10], $0x2FFFF;
	_ =	strace $0x9FFFFFFF  }
0xc8: {  	(tm) =	ssettm $0x7FFFFFFF  }
0xc9: {  	_ =	shalt  }
tec
execute0_lowered:
.L_overlay_start_1:
0x0: {  	(tag) =	ssettag $0x1  }
0x1: {  	s0 =	rddreg [dreg:$0x0]  }
0x2: {  	s1 =	rddreg [dreg:$0x1]  }
0x3: {  	s2 =	rddreg [dreg:$0x3]  }
0x4: {  	s3 =	rddreg [dreg:$0x4];
	s5 =	srdreg.scid;
	s4 =	simm.s32 $0x0  }
0x5: {  	s7 =	stileid.u32;
	s12 =	simm.s32 $0x64;
	s14 =	simm.s32 $0x5840  }
0x6: {  	s15 =	simm.s32 $0x8A40;
	s16 =	simm.s32 $0x1;
	s17 =	simm.s32 $0xA  }
0x7: {  	s18 =	simm.s32 $0xBC40;
	s19 =	simm.s32 $0xEE40;
	s20 =	simm.s32 $0x2  }
0x8: {  	s21 =	simm.s32 $0xB;
	s22 =	simm.s32 $0x12040;
	s23 =	simm.s32 $0x15240  }
0x9: {  	s28 =	simm.s32 $0x5;
	s29 =	simm.s32 $0x4;
	s30 =	simm.s32 $0x6  }
0xa: {  	s31 =	simm.s32 $0x7;
	s5 =	sand.u32 $0x1, s5;
	[smem:$0x7FF] =	sst s4  }
0xb: {  	s9 =	sshll.u32 s7, $0xB;
	s11 =	smul.u32 $0x32000, s7;
	p0 =	sne.s32 s7, $0x0  }
0xc: {  	s6 =	ssub.s32 $0x2, s5;
	_ =	strace $0x80000047;
	s10 =	sshll.u32 s5, $0xA  }
0xd: {  	s5 =	smul.u32 $0x19000, s5;
	s8 =	sshrl.u32 s6, $0x1;
	s24 =	sor.u32 s10, s9  }
0xe: {  	s26 =	sadd.s32 s11, s2;
	s9 =	sshrl.u32 @!p0 s3, $0x3;
	s10 =	simm.s32 $0x2640  }
.Ltmp0:
0xf: {  	s11 =	simm.s32 $0x9;
	s2 =	simm.s32 $0x0;
	(pc) =	sbr.rel .LBB2_1-.Ltmp0, $4  }
0x10: {  	s6 =	ssub.s32 s6, s8;
	s0 =	sadd.s32 s0, s24;
	s8 =	simm.s32 $0xD  }
0x11: {  	s24 =	simm.s32 $0x3;
	[dreg:$0x6] =	wrdreg s0;
	s25 =	smax.u32 s6, $0x1  }
0x12: {  	s0 =	sadd.s32 s5, s26;
	s26 =	simm.s32 $0x18440;
	[dreg:$0x7] =	wrdreg s25  }
0x13: {  	[dreg:$0x8] =	wrdreg s0;
	s25 =	simm.s32 $0xC;
	s0 =	simm.s32 $0x8  }
.LBB2_4:
0x14: {  	_ =	swait.ge [sflag:s30], $0x6400  }
0x15: {  	[sflag:s30] =	ssyncset.done $0x0  }
0x16: {  	[sflag:s30] =	ssyncadd.s32 $0xFFFF9C00  }
0x17: {  	_ =	swait.ge [sflag:s31], $0x6400  }
0x18: {  	[sflag:s31] =	ssyncset.done $0x0  }
0x19: {  	[sflag:s31] =	ssyncadd.s32 $0xFFFF9C00  }
0x1a: {  	_ =	swait.ge [sflag:s0], $0x6400  }
0x1b: {  	s2 =	sadd.s32 $0x1, s2;
	s5 =	rddreg [dreg:$0x7]  }
0x1c: {  	p1 =	sne.s32 s2, s5  }
.Ltmp1:
0x1d: {  	_ = 	snop;
	(pc) =	sbr.rel @!p1 .LBB2_5-.Ltmp1, $3  }
0x1e: {  	_ =	sdelay $0x1  }
0x1f: {  	[sflag:s0] =	ssyncset.done $0x0  }
0x20: {  	[sflag:s0] =	ssyncadd.s32 $0xFFFF9C00  }
.LBB2_1:
0x21: {  	s5 =	rddreg [dreg:$0x6]  }
0x22: {  	[tilespmem:s4], [sflag:$0xD] =	stream.linear.gather [hbm4b:s5+s4], $0x2000, $0x38;
	[tilespmem:$0x1B640] =	vst v63  }
0x23: {  	_ =	swait.ge [sflag:s8], $0x2000  }
0x24: {  	[sflag:s8] =	ssyncset.done $0x0  }
0x25: {  	[sflag:s8] =	ssyncadd.s32 $0xFFFFE000  }
0x26: {  	s5 =	simm.s32 @!p0 $0x1C0D;
	s6 =	rddreg [dreg:$0x2]  }
0x27: {  	[spmem:s9], [sflag:s5] =	dma.local @!p0 [hbm:s6], $0xC80  }
0x28: {  	s5 =	simm.s32 @!p0 $0xD  }
0x29: {  	_ =	swait.ge @!p0 [sflag:s5], $0xC80  }
0x2a: {  	[sflag:s5] =	ssyncset.done @!p0 $0x0  }
0x2b: {  	[sflag:s5] =	ssyncadd.s32 @!p0 $0xFFFFF380  }
0x2c: {  	[bflag:$0x0] =	sbarrier.arrive $0xFFFF  }
0x2d: {  	[tilespmem:s10], [sflag:$0x9] =	stream.linear.gather [spmem:s3], $0x6400, $0x38;
	[tilespmem:$0x1B640] =	vst v63  }
0x2e: {  	_ =	swait.ge [sflag:s11], $0x6400  }
0x2f: {  	[sflag:s11] =	ssyncset.done $0x0  }
0x30: {  	[sflag:s11] =	ssyncadd.s32 $0xFFFF9C00  }
0x31: {  	[tilespmem:s10], [sflag:$0x1] =	stream.indirect.gather.add.f32 [hbm:s1], $0x80, s4, s12, $0xb8;
	[tilespmem:$0x1B640] =	vst v63  }
0x32: {  	s13 =	simm.s32 $0x80  }
0x33: {  	[tilespmem:s14], [sflag:$0x1] =	stream.indirect.gather.add.f32 [hbm:s1], $0x80, s13, s12, $0xb8;
	[tilespmem:$0x1B640] =	vst v63  }
0x34: {  	s5 =	simm.s32 $0x0;
	s7 =	rddreg [dreg:$0x8]  }
0x35: {  	[tilespmem:s15], [sflag:$0xA] =	stream.linear.gather [spmem:s3], $0x6400, $0x38;
	[tilespmem:$0x1B640] =	vst v63  }
.LBB2_2:
0x36: {  	_ =	swait.ge [sflag:s16], $0x6400  }
0x37: {  	[sflag:s16] =	ssyncset.done $0x0  }
0x38: {  	[sflag:s16] =	ssyncadd.s32 $0xFFFF9C00  }
0x39: {  	[hbm4b:s7+s4] =	stream.linear.scatter [tilespmem:s10], [sflag:$0x5], $0x6400, $0x38;
	[tilespmem:$0x1B640] =	vst v63  }
0x3a: {  	_ =	swait.ge [sflag:s17], $0x6400  }
0x3b: {  	s6 =	sshra.s32 s5, $0x2;
	[sflag:s17] =	ssyncset.done $0x0  }
0x3c: {  	s13 =	sadd.s32 $0x100, s6;
	[sflag:s17] =	ssyncadd.s32 $0xFFFF9C00  }
0x3d: {  	[tilespmem:s15], [sflag:$0x2] =	stream.indirect.gather.add.f32 [hbm:s1], $0x80, s13, s12, $0xb8;
	[tilespmem:$0x1B640] =	vst v63  }
0x3e: {  	p1 =	seq.s32 s5, $0x0;
	s13 =	sadd.s32 $0x180, s6  }
0x3f: {  	[tilespmem:s18], [sflag:$0x2] =	stream.indirect.gather.add.f32 [hbm:s1], $0x80, s13, s12, $0xb8;
	[tilespmem:$0x1B640] =	vst v63  }
0x40: {  	s13 =	simm.s32 @!p1 $0x7  }
0x41: {  	_ =	swait.ge @!p1 [sflag:s13], $0x6400  }
0x42: {  	[sflag:s13] =	ssyncset.done @!p1 $0x0  }
0x43: {  	[sflag:s13] =	ssyncadd.s32 @!p1 $0xFFFF9C00  }
0x44: {  	[tilespmem:s19], [sflag:$0xB] =	stream.linear.gather [spmem:s3], $0x6400, $0x38;
	[tilespmem:$0x1B640] =	vst v63  }
0x45: {  	_ =	swait.ge [sflag:s20], $0x6400  }
0x46: {  	[sflag:s20] =	ssyncset.done $0x0  }
0x47: {  	s13 =	sadd.s32 $0xC80, s7;
	[sflag:s20] =	ssyncadd.s32 $0xFFFF9C00  }
0x48: {  	[hbm4b:s13+s4] =	stream.linear.scatter [tilespmem:s15], [sflag:$0x6], $0x6400, $0x38;
	[tilespmem:$0x1B640] =	vst v63  }
0x49: {  	_ =	swait.ge [sflag:s21], $0x6400  }
0x4a: {  	[sflag:s21] =	ssyncset.done $0x0  }
0x4b: {  	s13 =	sadd.s32 $0x200, s6;
	[sflag:s21] =	ssyncadd.s32 $0xFFFF9C00  }
0x4c: {  	[tilespmem:s19], [sflag:$0x3] =	stream.indirect.gather.add.f32 [hbm:s1], $0x80, s13, s12, $0xb8;
	[tilespmem:$0x1B640] =	vst v63  }
0x4d: {  	s13 =	sadd.s32 $0x280, s6  }
0x4e: {  	[tilespmem:s22], [sflag:$0x3] =	stream.indirect.gather.add.f32 [hbm:s1], $0x80, s13, s12, $0xb8;
	[tilespmem:$0x1B640] =	vst v63  }
0x4f: {  	s13 =	simm.s32 @!p1 $0x8  }
0x50: {  	_ =	swait.ge @!p1 [sflag:s13], $0x6400  }
0x51: {  	[sflag:s13] =	ssyncset.done @!p1 $0x0  }
0x52: {  	[sflag:s13] =	ssyncadd.s32 @!p1 $0xFFFF9C00  }
0x53: {  	[tilespmem:s23], [sflag:$0xC] =	stream.linear.gather [spmem:s3], $0x6400, $0x38;
	[tilespmem:$0x1B640] =	vst v63  }
0x54: {  	_ =	swait.ge [sflag:s24], $0x6400  }
0x55: {  	[sflag:s24] =	ssyncset.done $0x0  }
0x56: {  	s13 =	sadd.s32 $0x1900, s7;
	[sflag:s24] =	ssyncadd.s32 $0xFFFF9C00  }
0x57: {  	[hbm4b:s13+s4] =	stream.linear.scatter [tilespmem:s19], [sflag:$0x7], $0x6400, $0x38;
	[tilespmem:$0x1B640] =	vst v63  }
0x58: {  	_ =	swait.ge [sflag:s25], $0x6400  }
0x59: {  	[sflag:s25] =	ssyncset.done $0x0  }
0x5a: {  	s13 =	sadd.s32 $0x300, s6;
	[sflag:s25] =	ssyncadd.s32 $0xFFFF9C00  }
0x5b: {  	[tilespmem:s23], [sflag:$0x4] =	stream.indirect.gather.add.f32 [hbm:s1], $0x80, s13, s12, $0xb8;
	[tilespmem:$0x1B640] =	vst v63  }
0x5c: {  	s13 =	sadd.s32 $0x380, s6  }
0x5d: {  	[tilespmem:s26], [sflag:$0x4] =	stream.indirect.gather.add.f32 [hbm:s1], $0x80, s13, s12, $0xb8;
	[tilespmem:$0x1B640] =	vst v63  }
0x5e: {  	_ =	swait.ge [sflag:s28], $0x6400  }
0x5f: {  	p1 =	seq.s32 s5, $0x7000;
	[sflag:s28] =	ssyncset.done $0x0  }
0x60: {  	s13 =	simm.s32 @!p1 $0x2640;
	[sflag:s28] =	ssyncadd.s32 $0xFFFF9C00  }
0x61: {  	[tilespmem:s13], [sflag:$0x9] =	stream.linear.gather @!p1 [spmem:s3], $0x6400, $0x38;
	[tilespmem:$0x1B640] =	vst v63  }
.Ltmp2:
0x62: {  	_ = 	snop;
	(pc) =	sbr.rel @p1 .LBB2_4-.Ltmp2, $4  }
0x63: {  	_ =	swait.ge [sflag:s29], $0x6400  }
0x64: {  	[sflag:s29] =	ssyncset.done $0x0  }
0x65: {  	s13 =	sadd.s32 $0x2580, s7;
	[sflag:s29] =	ssyncadd.s32 $0xFFFF9C00  }
0x66: {  	[hbm4b:s13+s4] =	stream.linear.scatter [tilespmem:s23], [sflag:$0x8], $0x6400, $0x38;
	[tilespmem:$0x1B640] =	vst v63  }
0x67: {  	_ =	swait.ge [sflag:s11], $0x6400  }
0x68: {  	[sflag:s11] =	ssyncset.done $0x0  }
0x69: {  	s13 =	sadd.s32 $0x400, s6;
	[sflag:s11] =	ssyncadd.s32 $0xFFFF9C00  }
0x6a: {  	[tilespmem:s10], [sflag:$0x1] =	stream.indirect.gather.add.f32 [hbm:s1], $0x80, s13, s12, $0xb8;
	[tilespmem:$0x1B640] =	vst v63  }
0x6b: {  	s13 =	sadd.s32 $0x480, s6  }
0x6c: {  	[tilespmem:s14], [sflag:$0x1] =	stream.indirect.gather.add.f32 [hbm:s1], $0x80, s13, s12, $0xb8;
	[tilespmem:$0x1B640] =	vst v63  }
.Ltmp3:
0x6d: {  	_ = 	snop;
	(pc) =	sbr.rel .LBB2_2-.Ltmp3, $4  }
0x6e: {  	_ =	swait.ge [sflag:s30], $0x6400  }
0x6f: {  	[sflag:s30] =	ssyncset.done $0x0  }
0x70: {  	s5 =	sadd.s32 $0x1000, s5;
	s7 =	sadd.s32 $0x3200, s7;
	[sflag:s30] =	ssyncadd.s32 $0xFFFF9C00  }
0x71: {  	[tilespmem:s15], [sflag:$0xA] =	stream.linear.gather [spmem:s3], $0x6400, $0x38;
	[tilespmem:$0x1B640] =	vst v63  }
.LBB2_5:
0x72: {  	_ =	sfence.sel $0x180000  }
0x73: {  	[bflag:$0x0] =	sbarrier.arrive $0xFFFF  }
0x74: {  	_ =	strace $0x90000047  }
0x75: {  	[bflag:$0x2] =	sbarrier.arrive $0xFFFF  }
0x76: {  	s0 =	rddreg [dreg:$0x5]  }
0x77: {  	s0 =	sadd.s32 @!p0 $0x100000, s0  }
0x78: {  	[sflag:s0] =	ssyncadd.tile.s32 @!p0 $0x1;
	_ =	shalt  }
.Lfunc_end2:
_tile_overlayer_lowered:
.L_overlay_start_2:
0x79: {  	(tag) =	ssettag $0x2  }
0x7a: {  	s0 =	rddreg [dreg:$0x0];
	s2 =	stileid.u32  }
0x7b: {  	s1 =	rddreg [dreg:$0x1];
	p0 =	sne.s32 s2, $0x0  }
0x7c: {  	s3 =	rddreg [dreg:$0x2];
	[bflag:$0x3] =	sbarrier.arrive $0xFFFF;
	s2 =	simm.s32 @!p0 $0x1C0D  }
0x7d: {  	[timem:s3], [sflag:s2] =	dma.local @!p0 [hbm:s0], s1  }
0x7e: {  	s0 =	simm.s32 @!p0 $0xD  }
0x7f: {  	_ =	swait.ge @!p0 [sflag:s0], s1  }
0x80: {  	s1 =	ssub.s32 @!p0 $0x0, s1;
	[sflag:s0] =	ssyncset.done @!p0 $0x0  }
0x81: {  	[sflag:s0] =	ssyncadd.s32 @!p0 s1  }
0x82: {  	[bflag:$0x3] =	sbarrier.arrive $0xFFFF  }
0x83: {  	_ =	shalt  }

</sc_bundles>
